<compile_context>
chip_gen: v7x
topology: tpu7x:2x2x1
jax: 0.10.2.dev20260603
libtpu: 0.0.44.dev20260713+nightly
codegen_flags: <defaults>
</compile_context>

<pallas_src>
import functools

import jax
import jax.numpy as jnp
from jax import lax
from jax.experimental import pallas as pl
from jax.experimental.pallas import tpu as pltpu
from jax.experimental.pallas import tpu_sc as plsc

L = 16


def _make_scatter_sorted(P, N, M):
    info = plsc.get_sparse_core_info()
    nc, ns = info.num_cores, info.num_subcores
    nw = nc * ns
    assert P % nw == 0
    pp = P // nw

    mesh = plsc.VectorSubcoreMesh(core_axis_name="c", subcore_axis_name="s")

    @functools.partial(
        pl.kernel,
        mesh=mesh,
        compiler_params=pltpu.CompilerParams(needs_layout_passes=False),
        out_type=jax.ShapeDtypeStruct((P, M), jnp.float32),
        scratch_types=[
            pltpu.VMEM((2, N + L), jnp.int32),
            pltpu.VMEM((2, N), jnp.float32),
            pltpu.VMEM((M,), jnp.float32),
            pltpu.SemaphoreType.DMA,
            pltpu.SemaphoreType.DMA,
        ],
    )
    def k(skey_hbm, sval_hbm, out_hbm, ibuf, xbuf, obuf, semk, semv):
        wid = lax.axis_index("s") * nc + lax.axis_index("c")
        p0 = wid * pp
        zeros = jnp.zeros((L,), jnp.float32)

        @plsc.parallel_loop(0, M // L, unroll=8)
        def _(i):
            obuf[pl.ds(i * L, L)] = zeros

        sentinel = jnp.full((L,), -1, jnp.int32)
        ibuf[0, pl.ds(N, L)] = sentinel
        ibuf[1, pl.ds(N, L)] = sentinel

        pltpu.async_copy(skey_hbm.at[pl.ds(p0 * N, N)], ibuf.at[0, pl.ds(0, N)], semk)
        pltpu.async_copy(sval_hbm.at[pl.ds(p0 * N, N)], xbuf.at[0], semv)

        def plane_body(j, c):
            s = lax.rem(j, 2)
            p = p0 + j
            base = p * M
            pltpu.make_async_copy(
                skey_hbm.at[pl.ds(p * N, N)], ibuf.at[s, pl.ds(0, N)], semk
            ).wait()
            pltpu.make_async_copy(
                sval_hbm.at[pl.ds(p * N, N)], xbuf.at[s], semv
            ).wait()

            @pl.when(j + 1 < pp)
            def _():
                o = 1 - s
                pltpu.async_copy(
                    skey_hbm.at[pl.ds((p + 1) * N, N)], ibuf.at[o, pl.ds(0, N)], semk
                )
                pltpu.async_copy(
                    sval_hbm.at[pl.ds((p + 1) * N, N)], xbuf.at[o], semv
                )

            @plsc.parallel_loop(0, N // L, unroll=8)
            def _(i):
                cur = ibuf[s, pl.ds(i * L, L)]
                nxt = ibuf[s, pl.ds(i * L + 1, L)]
                xv = xbuf[s, pl.ds(i * L, L)]
                plsc.store_scatter(obuf, [cur - base], xv, mask=cur != nxt)

            pltpu.sync_copy(obuf, out_hbm.at[p])

            @plsc.parallel_loop(0, N // L, unroll=8)
            def _(i):
                loc = ibuf[s, pl.ds(i * L, L)] - base
                plsc.store_scatter(obuf, [loc], zeros)

            return c

        lax.fori_loop(0, pp, plane_body, 0)

    return k


def kernel(x, idx, x1):
    B, C, Hp, Wp = x.shape
    _, _, H, W = x1.shape
    P, N, M = B * C, Hp * Wp, H * W
    planes = jnp.arange(P, dtype=jnp.int32)[:, None] * jnp.int32(M)
    keys = (idx.reshape(P, N) + planes).reshape(P * N)
    vals = x.reshape(P * N)
    skeys, svals = lax.sort((keys, vals), dimension=0, num_keys=1, is_stable=False)
    scatter = _make_scatter_sorted(P, N, M)
    out2 = scatter(skeys, svals)
    return out2.reshape(B, C, H, W)

# --- scband reference (transcript-rebuilt; emitter-appended) ---
"""Pipeline reference for scband-un-pool-38517266710890 (READ-ONLY COPY).

The authoritative reference and input builder live on the scoring server;
editing this copy changes nothing except your own understanding.
"""

import jax, jax.numpy as jnp
import numpy as np


def setup_inputs(seed: int = 0) -> dict:
    key = jax.random.key(seed)
    k1, k2 = jax.random.split(key)
    B, C, Hp, Wp = 4, 192, 112, 112
    H, W = 224, 224
    x = jax.random.normal(k1, (B, C, Hp, Wp), dtype=jnp.float32)
    idx = jax.random.randint(k2, (B, C, Hp, Wp), 0, H * W, dtype=jnp.int32)
    x1 = jnp.zeros((B, C, H, W), dtype=jnp.float32)
    return {"x": x, "idx": idx, "x1": x1}


def reference(x, idx, x1):
    # nn.MaxUnpool2d(kernel_size=2, stride=2) with output_size = x1.size():
    # scatter pooled values x into a zero tensor of x1's shape at flattened
    # per-channel-plane indices idx (indices index into H*W of the output plane).
    B, C, Hp, Wp = x.shape
    _, _, H, W = x1.shape
    flat_out = jnp.zeros((B, C, H * W), dtype=x.dtype)
    b = jnp.arange(B)[:, None, None]
    c = jnp.arange(C)[None, :, None]
    flat_idx = idx.reshape(B, C, Hp * Wp)
    flat_x = x.reshape(B, C, Hp * Wp)
    flat_out = flat_out.at[b, c, flat_idx].set(flat_x)
    return flat_out.reshape(B, C, H, W)

if __name__ == "__main__":
    import jax
    _d = setup_inputs()
    print(jax.jit(kernel)(*tuple(_d.values())))

</pallas_src>

<mosaic_0001>
#map = affine_map<(d0, d1) -> (0)>
#map1 = affine_map<(d0, d1) -> (0, 0)>
module attributes {stable_mosaic.version = 14 : i64} {
  func.func @k(%arg0: i32, %arg1: i32, %arg2: memref<9633792xi32, #tpu.memory_space<hbm>>, %arg3: memref<9633792xf32, #tpu.memory_space<hbm>>, %arg4: memref<768x50176xf32, #tpu.memory_space<hbm>>, %arg5: memref<2x12560xi32, #tpu.memory_space<vmem>>, %arg6: memref<2x12544xf32, #tpu.memory_space<vmem>>, %arg7: memref<50176xf32, #tpu.memory_space<vmem>>, %arg8: memref<!tpu.dma_semaphore, #tpu.memory_space<semaphore_mem>>, %arg9: memref<!tpu.dma_semaphore, #tpu.memory_space<semaphore_mem>>) attributes {dimension_semantics = [#tpu.dimension_semantics<core_parallel>, #tpu.dimension_semantics<subcore_parallel>], iteration_bounds = array<i64: 2, 16>, scalar_prefetch = 0 : i64, scratch_operands = 5 : i64, tpu.core_type = #tpu.core_type<sc_vector_subcore>, window_params = [{transform_indices = #map}, {transform_indices = #map}, {transform_indices = #map1}]} {
    %mul3A = arith.constant 2 : i32
    %mul3A_0 = arith.muli %arg1, %mul3A : i32
    %add3A = arith.addi %mul3A_0, %arg0 : i32
    %mul3A_1 = arith.constant 24 : i32
    %mul3A_2 = arith.muli %add3A, %mul3A_1 : i32
    %broadcast_in_dim3A = arith.constant 0.000000e+00 : f32
    %broadcast_in_dim3A_3 = vector.broadcast %broadcast_in_dim3A : f32 to vector<16xf32>
    %parallel_loop3A = arith.constant 0 : i32
    %parallel_loop3A_4 = arith.constant 3136 : i32
    %parallel_loop3A_5 = arith.constant 1 : i32
    scf.for %parallel_loop3A_41 = %parallel_loop3A to %parallel_loop3A_4 step %parallel_loop3A_5  : i32 {
      %parallel_loop3A_42 = arith.constant 16 : i32
      %parallel_loop3A_43 = arith.muli %parallel_loop3A_41, %parallel_loop3A_42 : i32
      %parallel_loop3A_44 = arith.index_cast %parallel_loop3A_43 : i32 to index
      %parallel_loop3A_45 = tpu.vector_load %arg7[%parallel_loop3A_44] {strides = array<i32>} : memref<50176xf32, #tpu.memory_space<vmem>>, vector<16xf32>,
      tpu.vector_store %arg7[%parallel_loop3A_44], %broadcast_in_dim3A_3 {strides = array<i32>} : memref<50176xf32, #tpu.memory_space<vmem>>, vector<16xf32>,
    } {sc.loop_unroll_factor = 8 : i64, sc.parallel_access}
    %broadcast_in_dim3A_6 = arith.constant -1 : i32
    %broadcast_in_dim3A_7 = vector.broadcast %broadcast_in_dim3A_6 : i32 to vector<16xi32>
    %swap3A = arith.constant 0 : i32
    %swap3A_8 = arith.index_cast %swap3A : i32 to index
    %swap3A_9 = arith.constant 12544 : index
    %swap3A_10 = tpu.vector_load %arg5[%swap3A_8, %swap3A_9] {strides = array<i32>} : memref<2x12560xi32, #tpu.memory_space<vmem>>, vector<16xi32>,
    tpu.vector_store %arg5[%swap3A_8, %swap3A_9], %broadcast_in_dim3A_7 {strides = array<i32>} : memref<2x12560xi32, #tpu.memory_space<vmem>>, vector<16xi32>,
    %swap3A_11 = arith.constant 1 : i32
    %swap3A_12 = arith.index_cast %swap3A_11 : i32 to index
    %swap3A_13 = arith.constant 12544 : index
    %swap3A_14 = tpu.vector_load %arg5[%swap3A_12, %swap3A_13] {strides = array<i32>} : memref<2x12560xi32, #tpu.memory_space<vmem>>, vector<16xi32>,
    tpu.vector_store %arg5[%swap3A_12, %swap3A_13], %broadcast_in_dim3A_7 {strides = array<i32>} : memref<2x12560xi32, #tpu.memory_space<vmem>>, vector<16xi32>,
    %mul3A_15 = arith.constant 12544 : i32
    %mul3A_16 = arith.muli %mul3A_2, %mul3A_15 : i32
    %dma_start3A = arith.constant 0 : i32
    %dma_start3A_17 = arith.constant 0 : i32
    %dma_start3A_18 = tpu.memref_slice %arg5[%dma_start3A, %dma_start3A_17] : memref<2x12560xi32, #tpu.memory_space<vmem>> -> memref<1x12544xi32, #tpu.memory_space<vmem>>
    %dma_start3A_19 = tpu.memref_squeeze %dma_start3A_18 : memref<1x12544xi32, #tpu.memory_space<vmem>> -> memref<12544xi32, #tpu.memory_space<vmem>>
    %dma_start3A_20 = tpu.memref_slice %arg2[%mul3A_16] : memref<9633792xi32, #tpu.memory_space<hbm>> -> memref<12544xi32, #tpu.memory_space<hbm>>
    %dma_start3A_21 = arith.constant 0 : i32
    %dma_start3A_22 = tpu.memref_slice %arg5[%dma_start3A, %dma_start3A_21] : memref<2x12560xi32, #tpu.memory_space<vmem>> -> memref<1x12544xi32, #tpu.memory_space<vmem>>
    %dma_start3A_23 = tpu.memref_squeeze %dma_start3A_22 : memref<1x12544xi32, #tpu.memory_space<vmem>> -> memref<12544xi32, #tpu.memory_space<vmem>>
    %dma_start3A_24 = tpu.memref_slice %arg2[%mul3A_16] : memref<9633792xi32, #tpu.memory_space<hbm>> -> memref<12544xi32, #tpu.memory_space<hbm>>
    tpu.enqueue_dma source(%dma_start3A_24 : memref<12544xi32, #tpu.memory_space<hbm>>) target(%dma_start3A_23 : memref<12544xi32, #tpu.memory_space<vmem>>) target_semaphore(%arg8 : memref<!tpu.dma_semaphore, #tpu.memory_space<semaphore_mem>>)
    %mul3A_25 = arith.constant 12544 : i32
    %mul3A_26 = arith.muli %mul3A_2, %mul3A_25 : i32
    %dma_start3A_27 = arith.constant 0 : i32
    %dma_start3A_28 = arith.constant 0 : i32
    %dma_start3A_29 = tpu.memref_slice %arg6[%dma_start3A_27, %dma_start3A_28] : memref<2x12544xf32, #tpu.memory_space<vmem>> -> memref<1x12544xf32, #tpu.memory_space<vmem>>
    %dma_start3A_30 = tpu.memref_squeeze %dma_start3A_29 : memref<1x12544xf32, #tpu.memory_space<vmem>> -> memref<12544xf32, #tpu.memory_space<vmem>>
    %dma_start3A_31 = tpu.memref_slice %arg3[%mul3A_26] : memref<9633792xf32, #tpu.memory_space<hbm>> -> memref<12544xf32, #tpu.memory_space<hbm>>
    %dma_start3A_32 = arith.constant 0 : i32
    %dma_start3A_33 = tpu.memref_slice %arg6[%dma_start3A_27, %dma_start3A_32] : memref<2x12544xf32, #tpu.memory_space<vmem>> -> memref<1x12544xf32, #tpu.memory_space<vmem>>
    %dma_start3A_34 = tpu.memref_squeeze %dma_start3A_33 : memref<1x12544xf32, #tpu.memory_space<vmem>> -> memref<12544xf32, #tpu.memory_space<vmem>>
    %dma_start3A_35 = tpu.memref_slice %arg3[%mul3A_26] : memref<9633792xf32, #tpu.memory_space<hbm>> -> memref<12544xf32, #tpu.memory_space<hbm>>
    tpu.enqueue_dma source(%dma_start3A_35 : memref<12544xf32, #tpu.memory_space<hbm>>) target(%dma_start3A_34 : memref<12544xf32, #tpu.memory_space<vmem>>) target_semaphore(%arg9 : memref<!tpu.dma_semaphore, #tpu.memory_space<semaphore_mem>>)
    %scan3A = arith.constant 0 : i32
    %scan3A_36 = arith.constant 0 : i32
    %scan3A_37 = arith.constant 24 : i32
    %scan3A_38 = arith.addi %scan3A_36, %scan3A_37 : i32
    %scan3A_39 = arith.constant 1 : i32
    scf.for %scan3A_41 = %scan3A_36 to %scan3A_38 step %scan3A_39  : i32 {
      %rem3A = arith.constant 2 : i32
      %rem3A_42 = arith.remsi %scan3A_41, %rem3A : i32
      %add3A_43 = arith.addi %mul3A_2, %scan3A_41 : i32
      %mul3A_44 = arith.constant 50176 : i32
      %mul3A_45 = arith.muli %add3A_43, %mul3A_44 : i32
      %mul3A_46 = arith.constant 12544 : i32
      %mul3A_47 = arith.muli %add3A_43, %mul3A_46 : i32
      %dma_wait3A = arith.constant 0 : i32
      %dma_wait3A_48 = tpu.memref_slice %arg5[%rem3A_42, %dma_wait3A] : memref<2x12560xi32, #tpu.memory_space<vmem>> -> memref<1x12544xi32, #tpu.memory_space<vmem>>
      %dma_wait3A_49 = tpu.memref_squeeze %dma_wait3A_48 : memref<1x12544xi32, #tpu.memory_space<vmem>> -> memref<12544xi32, #tpu.memory_space<vmem>>
      %dma_wait3A_50 = tpu.memref_slice %arg2[%mul3A_47] : memref<9633792xi32, #tpu.memory_space<hbm>> -> memref<12544xi32, #tpu.memory_space<hbm>>
      %dma_wait3A_51 = arith.constant 0 : i32
      %dma_wait3A_52 = tpu.memref_slice %arg5[%rem3A_42, %dma_wait3A_51] : memref<2x12560xi32, #tpu.memory_space<vmem>> -> memref<1x12544xi32, #tpu.memory_space<vmem>>
      %dma_wait3A_53 = tpu.memref_squeeze %dma_wait3A_52 : memref<1x12544xi32, #tpu.memory_space<vmem>> -> memref<12544xi32, #tpu.memory_space<vmem>>
      %dma_wait3A_54 = tpu.memref_slice %arg2[%mul3A_47] : memref<9633792xi32, #tpu.memory_space<hbm>> -> memref<12544xi32, #tpu.memory_space<hbm>>
      tpu.wait_dma2 semaphore(%arg8 : memref<!tpu.dma_semaphore, #tpu.memory_space<semaphore_mem>>) src(%dma_wait3A_54 : memref<12544xi32, #tpu.memory_space<hbm>>) dst(%dma_wait3A_53 : memref<12544xi32, #tpu.memory_space<vmem>>)
      %mul3A_55 = arith.constant 12544 : i32
      %mul3A_56 = arith.muli %add3A_43, %mul3A_55 : i32
      %dma_wait3A_57 = arith.constant 0 : i32
      %dma_wait3A_58 = tpu.memref_slice %arg6[%rem3A_42, %dma_wait3A_57] : memref<2x12544xf32, #tpu.memory_space<vmem>> -> memref<1x12544xf32, #tpu.memory_space<vmem>>
      %dma_wait3A_59 = tpu.memref_squeeze %dma_wait3A_58 : memref<1x12544xf32, #tpu.memory_space<vmem>> -> memref<12544xf32, #tpu.memory_space<vmem>>
      %dma_wait3A_60 = tpu.memref_slice %arg3[%mul3A_56] : memref<9633792xf32, #tpu.memory_space<hbm>> -> memref<12544xf32, #tpu.memory_space<hbm>>
      %dma_wait3A_61 = arith.constant 0 : i32
      %dma_wait3A_62 = tpu.memref_slice %arg6[%rem3A_42, %dma_wait3A_61] : memref<2x12544xf32, #tpu.memory_space<vmem>> -> memref<1x12544xf32, #tpu.memory_space<vmem>>
      %dma_wait3A_63 = tpu.memref_squeeze %dma_wait3A_62 : memref<1x12544xf32, #tpu.memory_space<vmem>> -> memref<12544xf32, #tpu.memory_space<vmem>>
      %dma_wait3A_64 = tpu.memref_slice %arg3[%mul3A_56] : memref<9633792xf32, #tpu.memory_space<hbm>> -> memref<12544xf32, #tpu.memory_space<hbm>>
      tpu.wait_dma2 semaphore(%arg9 : memref<!tpu.dma_semaphore, #tpu.memory_space<semaphore_mem>>) src(%dma_wait3A_64 : memref<12544xf32, #tpu.memory_space<hbm>>) dst(%dma_wait3A_63 : memref<12544xf32, #tpu.memory_space<vmem>>)
      %add3A_65 = arith.constant 1 : i32
      %add3A_66 = arith.addi %scan3A_41, %add3A_65 : i32
      %lt3A = arith.constant 24 : i32
      %lt3A_67 = arith.cmpi slt, %add3A_66, %lt3A : i32
      %convert_element_type3A = arith.extui %lt3A_67 : i1 to i32
      %cond3A = arith.constant 0 : i32
      %cond3A_68 = arith.cmpi ne, %convert_element_type3A, %cond3A : i32
      scf.if %cond3A_68 {
        %sub3A = arith.constant 1 : i32
        %sub3A_75 = arith.subi %sub3A, %rem3A_42 : i32
        %add3A_76 = arith.constant 1 : i32
        %add3A_77 = arith.addi %add3A_43, %add3A_76 : i32
        %mul3A_78 = arith.constant 12544 : i32
        %mul3A_79 = arith.muli %add3A_77, %mul3A_78 : i32
        %dma_start3A_80 = arith.constant 0 : i32
        %dma_start3A_81 = tpu.memref_slice %arg5[%sub3A_75, %dma_start3A_80] : memref<2x12560xi32, #tpu.memory_space<vmem>> -> memref<1x12544xi32, #tpu.memory_space<vmem>>
        %dma_start3A_82 = tpu.memref_squeeze %dma_start3A_81 : memref<1x12544xi32, #tpu.memory_space<vmem>> -> memref<12544xi32, #tpu.memory_space<vmem>>
        %dma_start3A_83 = tpu.memref_slice %arg2[%mul3A_79] : memref<9633792xi32, #tpu.memory_space<hbm>> -> memref<12544xi32, #tpu.memory_space<hbm>>
        %dma_start3A_84 = arith.constant 0 : i32
        %dma_start3A_85 = tpu.memref_slice %arg5[%sub3A_75, %dma_start3A_84] : memref<2x12560xi32, #tpu.memory_space<vmem>> -> memref<1x12544xi32, #tpu.memory_space<vmem>>
        %dma_start3A_86 = tpu.memref_squeeze %dma_start3A_85 : memref<1x12544xi32, #tpu.memory_space<vmem>> -> memref<12544xi32, #tpu.memory_space<vmem>>
        %dma_start3A_87 = tpu.memref_slice %arg2[%mul3A_79] : memref<9633792xi32, #tpu.memory_space<hbm>> -> memref<12544xi32, #tpu.memory_space<hbm>>
        tpu.enqueue_dma source(%dma_start3A_87 : memref<12544xi32, #tpu.memory_space<hbm>>) target(%dma_start3A_86 : memref<12544xi32, #tpu.memory_space<vmem>>) target_semaphore(%arg8 : memref<!tpu.dma_semaphore, #tpu.memory_space<semaphore_mem>>)
        %add3A_88 = arith.constant 1 : i32
        %add3A_89 = arith.addi %add3A_43, %add3A_88 : i32
        %mul3A_90 = arith.constant 12544 : i32
        %mul3A_91 = arith.muli %add3A_89, %mul3A_90 : i32
        %dma_start3A_92 = arith.constant 0 : i32
        %dma_start3A_93 = tpu.memref_slice %arg6[%sub3A_75, %dma_start3A_92] : memref<2x12544xf32, #tpu.memory_space<vmem>> -> memref<1x12544xf32, #tpu.memory_space<vmem>>
        %dma_start3A_94 = tpu.memref_squeeze %dma_start3A_93 : memref<1x12544xf32, #tpu.memory_space<vmem>> -> memref<12544xf32, #tpu.memory_space<vmem>>
        %dma_start3A_95 = tpu.memref_slice %arg3[%mul3A_91] : memref<9633792xf32, #tpu.memory_space<hbm>> -> memref<12544xf32, #tpu.memory_space<hbm>>
        %dma_start3A_96 = arith.constant 0 : i32
        %dma_start3A_97 = tpu.memref_slice %arg6[%sub3A_75, %dma_start3A_96] : memref<2x12544xf32, #tpu.memory_space<vmem>> -> memref<1x12544xf32, #tpu.memory_space<vmem>>
        %dma_start3A_98 = tpu.memref_squeeze %dma_start3A_97 : memref<1x12544xf32, #tpu.memory_space<vmem>> -> memref<12544xf32, #tpu.memory_space<vmem>>
        %dma_start3A_99 = tpu.memref_slice %arg3[%mul3A_91] : memref<9633792xf32, #tpu.memory_space<hbm>> -> memref<12544xf32, #tpu.memory_space<hbm>>
        tpu.enqueue_dma source(%dma_start3A_99 : memref<12544xf32, #tpu.memory_space<hbm>>) target(%dma_start3A_98 : memref<12544xf32, #tpu.memory_space<vmem>>) target_semaphore(%arg9 : memref<!tpu.dma_semaphore, #tpu.memory_space<semaphore_mem>>)
      } else {
      }
      %parallel_loop3A_69 = arith.constant 0 : i32
      %parallel_loop3A_70 = arith.constant 784 : i32
      %parallel_loop3A_71 = arith.constant 1 : i32
      scf.for %parallel_loop3A_75 = %parallel_loop3A_69 to %parallel_loop3A_70 step %parallel_loop3A_71  : i32 {
        %parallel_loop3A_76 = arith.constant 16 : i32
        %parallel_loop3A_77 = arith.muli %parallel_loop3A_75, %parallel_loop3A_76 : i32
        %parallel_loop3A_78 = arith.index_cast %rem3A_42 : i32 to index
        %parallel_loop3A_79 = arith.index_cast %parallel_loop3A_77 : i32 to index
        %parallel_loop3A_80 = tpu.vector_load %arg5[%parallel_loop3A_78, %parallel_loop3A_79] {strides = array<i32>} : memref<2x12560xi32, #tpu.memory_space<vmem>>, vector<16xi32>,
        %parallel_loop3A_81 = arith.constant 16 : i32
        %parallel_loop3A_82 = arith.muli %parallel_loop3A_75, %parallel_loop3A_81 : i32
        %parallel_loop3A_83 = arith.constant 1 : i32
        %parallel_loop3A_84 = arith.addi %parallel_loop3A_82, %parallel_loop3A_83 : i32
        %parallel_loop3A_85 = arith.index_cast %rem3A_42 : i32 to index
        %parallel_loop3A_86 = arith.index_cast %parallel_loop3A_84 : i32 to index
        %parallel_loop3A_87 = tpu.vector_load %arg5[%parallel_loop3A_85, %parallel_loop3A_86] {strides = array<i32>} : memref<2x12560xi32, #tpu.memory_space<vmem>>, vector<16xi32>,
        %parallel_loop3A_88 = arith.constant 16 : i32
        %parallel_loop3A_89 = arith.muli %parallel_loop3A_75, %parallel_loop3A_88 : i32
        %parallel_loop3A_90 = arith.index_cast %rem3A_42 : i32 to index
        %parallel_loop3A_91 = arith.index_cast %parallel_loop3A_89 : i32 to index
        %parallel_loop3A_92 = tpu.vector_load %arg6[%parallel_loop3A_90, %parallel_loop3A_91] {strides = array<i32>} : memref<2x12544xf32, #tpu.memory_space<vmem>>, vector<16xf32>,
        %parallel_loop3A_93 = vector.broadcast %mul3A_45 : i32 to vector<16xi32>
        %parallel_loop3A_94 = arith.subi %parallel_loop3A_80, %parallel_loop3A_93 : vector<16xi32>
        %parallel_loop3A_95 = arith.cmpi ne, %parallel_loop3A_80, %parallel_loop3A_87 : vector<16xi32>
        tpu.vector_store_idx %arg7[%parallel_loop3A_94], %parallel_loop3A_92 masked %parallel_loop3A_95 : memref<50176xf32, #tpu.memory_space<vmem>>[vector<16xi32>], vector<16xf32>, vector<16xi1>
      } {sc.loop_unroll_factor = 8 : i64, sc.parallel_access}
      "tpu.region"() ({
        %run_scoped3A = tpu.sem_alloc : memref<!tpu.dma_semaphore, #tpu.memory_space<semaphore_mem>>
        %dma_start3A_75 = arith.constant 0 : i32
        %dma_start3A_76 = tpu.memref_slice %arg4[%add3A_43, %dma_start3A_75] : memref<768x50176xf32, #tpu.memory_space<hbm>> -> memref<1x50176xf32, #tpu.memory_space<hbm>>
        %dma_start3A_77 = tpu.memref_squeeze %dma_start3A_76 : memref<1x50176xf32, #tpu.memory_space<hbm>> -> memref<50176xf32, #tpu.memory_space<hbm>>
        %dma_start3A_78 = arith.constant 0 : i32
        %dma_start3A_79 = tpu.memref_slice %arg4[%add3A_43, %dma_start3A_78] : memref<768x50176xf32, #tpu.memory_space<hbm>> -> memref<1x50176xf32, #tpu.memory_space<hbm>>
        %dma_start3A_80 = tpu.memref_squeeze %dma_start3A_79 : memref<1x50176xf32, #tpu.memory_space<hbm>> -> memref<50176xf32, #tpu.memory_space<hbm>>
        tpu.enqueue_dma source(%arg7 : memref<50176xf32, #tpu.memory_space<vmem>>) target(%dma_start3A_80 : memref<50176xf32, #tpu.memory_space<hbm>>) target_semaphore(%run_scoped3A : memref<!tpu.dma_semaphore, #tpu.memory_space<semaphore_mem>>)
        %dma_wait3A_81 = arith.constant 0 : i32
        %dma_wait3A_82 = tpu.memref_slice %arg4[%add3A_43, %dma_wait3A_81] : memref<768x50176xf32, #tpu.memory_space<hbm>> -> memref<1x50176xf32, #tpu.memory_space<hbm>>
        %dma_wait3A_83 = tpu.memref_squeeze %dma_wait3A_82 : memref<1x50176xf32, #tpu.memory_space<hbm>> -> memref<50176xf32, #tpu.memory_space<hbm>>
        %dma_wait3A_84 = arith.constant 0 : i32
        %dma_wait3A_85 = tpu.memref_slice %arg4[%add3A_43, %dma_wait3A_84] : memref<768x50176xf32, #tpu.memory_space<hbm>> -> memref<1x50176xf32, #tpu.memory_space<hbm>>
        %dma_wait3A_86 = tpu.memref_squeeze %dma_wait3A_85 : memref<1x50176xf32, #tpu.memory_space<hbm>> -> memref<50176xf32, #tpu.memory_space<hbm>>
        tpu.wait_dma2 semaphore(%run_scoped3A : memref<!tpu.dma_semaphore, #tpu.memory_space<semaphore_mem>>) src(%arg7 : memref<50176xf32, #tpu.memory_space<vmem>>) dst(%dma_wait3A_86 : memref<50176xf32, #tpu.memory_space<hbm>>)
        tpu.yield
      }) : () -> ()
      %parallel_loop3A_72 = arith.constant 0 : i32
      %parallel_loop3A_73 = arith.constant 784 : i32
      %parallel_loop3A_74 = arith.constant 1 : i32
      scf.for %parallel_loop3A_75 = %parallel_loop3A_72 to %parallel_loop3A_73 step %parallel_loop3A_74  : i32 {
        %parallel_loop3A_76 = arith.constant 16 : i32
        %parallel_loop3A_77 = arith.muli %parallel_loop3A_75, %parallel_loop3A_76 : i32
        %parallel_loop3A_78 = arith.index_cast %rem3A_42 : i32 to index
        %parallel_loop3A_79 = arith.index_cast %parallel_loop3A_77 : i32 to index
        %parallel_loop3A_80 = tpu.vector_load %arg5[%parallel_loop3A_78, %parallel_loop3A_79] {strides = array<i32>} : memref<2x12560xi32, #tpu.memory_space<vmem>>, vector<16xi32>,
        %parallel_loop3A_81 = vector.broadcast %mul3A_45 : i32 to vector<16xi32>
        %parallel_loop3A_82 = arith.subi %parallel_loop3A_80, %parallel_loop3A_81 : vector<16xi32>
        tpu.vector_store_idx %arg7[%parallel_loop3A_82], %broadcast_in_dim3A_3 : memref<50176xf32, #tpu.memory_space<vmem>>[vector<16xi32>], vector<16xf32>,
      } {sc.loop_unroll_factor = 8 : i64, sc.parallel_access}
    }
    %scan3A_40 = arith.constant 24 : i32
    return
  }
}

</mosaic_0001>

<sc_bundles>
// kernel: kernel.3.cloned.1.call-start
scs
__scs_entry_jumppad:
0x0: {  	(pc) =	sbr.rel $0x88, $3  }
0x1: {  	(tag) =	ssettag $0x0;
	lr =	simm.s32 $0x1  }
0x2: {  	[smem:$0x3F9F] =	sst lr;
	_ =	strace $0xD0000000  }
0x3: {  	_ = 	snop  }
0x4: {  	_ = 	snop  }
0x5: {  	_ = 	snop  }
0x6: {  	_ = 	snop  }
0x7: {  	_ = 	snop  }
__scs_overlays_trampoline_lowered:
0x8: {  	[smem:$0x3FAE] =	sst s0  }
0x9: {  	[smem:$0x3FAF] =	sst s1  }
0xa: {  	[smem:$0x3FB0] =	sst s2  }
0xb: {  	[smem:$0x3FB1] =	sst s3  }
0xc: {  	[smem:$0x3FB2] =	sst s4  }
0xd: {  	[smem:$0x3FB3] =	sst s5  }
0xe: {  	[smem:$0x3FB4] =	sst s6  }
0xf: {  	[smem:$0x3FB5] =	sst s7  }
0x10: {  	[smem:$0x3FB6] =	sst s8  }
0x11: {  	[smem:$0x3FB7] =	sst s9;
	s0 =	simm.s32 @!p0 $0x0  }
0x12: {  	s1 =	sld [smem:$0x3F9D];
	s0 =	simm.s32 @p0 $0x1  }
0x13: {  	[smem:$0x3FB8] =	sst s0;
	s0 =	simm.s32 @!p1 $0x0  }
0x14: {  	s2 =	sld [smem:$0x3F9C];
	s0 =	simm.s32 @p1 $0x1  }
0x15: {  	[smem:$0x3FB9] =	sst s0;
	s0 =	simm.s32 @!p2 $0x0  }
0x16: {  	s3 =	sld [smem:$0x3FDB];
	s0 =	simm.s32 @p2 $0x1  }
0x17: {  	s4 =	simm.s32 $0x1BF5;
	[smem:$0x3FBB] =	sst s0  }
0x18: {  	s0 =	sld [smem:$0x3F9E];
	_ =	swait.ge [sflag:s4], $0x0  }
0x19: {  	s7 =	sld [smem:$0x3F9F]  }
0x1a: {  	s8 =	sadd.s32 $0xFFFFE003, lr  }
0x1b: {  	s9 =	sadd.s32 $0xFFFFFEF7, lr;
	s5 =	simm.s32 $0xFFFFFFFF;
	p2 =	slt.u32 s8, $0xFFFFF086  }
0x1c: {  	p1 =	slt.u32 s9, $0xF7A;
	s5 =	simm.s32 @!p2 $0x0  }
0x1d: {  	s5 =	simm.s32 @p1 $0x1;
	p0 =	seq.s32 s7, s2  }
0x1e: {  	s7 =	smul.u32 @!p0 $0xF7A, s2;
	p2 =	seq.s32 @!p0 s5, $0x0  }
0x1f: {  	s9 =	smul.u32 $0xF7A, s1;
	s8 =	simm.s32 @!p0 $0x1BF5;
	p2 =	por !p2, p0  }
0x20: {  	[sflag:s8] =	ssyncset.s32 @!p0 $0xFFFFF086;
	s6 =	sadd.s32 @!p0 s3, s7;
	s7 =	simm.s32 @!p0 $0x108  }
0x21: {  	s3 =	sadd.s32 s3, s9;
	s6 =	sadd.s32 @!p0 $0x88, s6;
	s7 =	simm.s32 @p2 $0x1082  }
0x22: {  	[simem:s7], [sflag:s8] =	dma.local @!p0 [hbm:s6], $0xF7A  }
0x23: {  	s9 =	sor.u32 $0xD0000000, s2;
	s6 =	simm.s32 $0x108;
	_ =	swait.ge @!p0 [sflag:s8], $0x0  }
0x24: {  	s3 =	sadd.s32 $0x88, s3;
	s6 =	simm.s32 @!p1 $0x1082;
	[sflag:s4] =	ssyncset.s32 $0xFFFFF086  }
0x25: {  	[simem:s6], [sflag:s4] =	dma.local [hbm:s3], $0xF7A  }
0x26: {  	[smem:$0x3F9F] =	sst s1;
	(tag) =	ssettag s2;
	_ =	strace s9  }
0x27: {  	s1 =	sld [smem:$0x3FAF]  }
0x28: {  	s2 =	sld [smem:$0x3FB0]  }
0x29: {  	s4 =	sld [smem:$0x3FB2]  }
0x2a: {  	p0 =	seq.s32 s5, $0x0;
	s5 =	sld [smem:$0x3FB3]  }
0x2b: {  	s6 =	sld [smem:$0x3FB4]  }
0x2c: {  	s7 =	sld [smem:$0x3FB5]  }
0x2d: {  	s3 =	simm.s32 $0x108;
	s8 =	sld [smem:$0x3FB6]  }
0x2e: {  	s3 =	simm.s32 @!p0 $0x1082;
	s9 =	sld [smem:$0x3FB7]  }
0x2f: {  	lr =	sadd.s32 s0, s3;
	s0 =	sld [smem:$0x3FAE]  }
0x30: {  	s3 =	sld [smem:$0x3FB1]  }
0x31: {  	[smem:$0x3FBA] =	sst s10  }
0x32: {  	s10 =	sld [smem:$0x3FB8];
	_ =	sdelay $0x3  }
0x33: {  	p0 =	seq.s32 s10, $0x1;
	s10 =	sld [smem:$0x3FBA];
	_ =	sdelay $0x3  }
0x34: {  	[smem:$0x3FBA] =	sst s10  }
0x35: {  	s10 =	sld [smem:$0x3FB9];
	_ =	sdelay $0x3  }
0x36: {  	p1 =	seq.s32 s10, $0x1;
	s10 =	sld [smem:$0x3FBA];
	_ =	sdelay $0x3  }
0x37: {  	[smem:$0x3FBA] =	sst s10  }
0x38: {  	s10 =	sld [smem:$0x3FBB]  }
0x39: {  	_ = 	snop;
	(pc) =	sbr.ind lr, $3  }
0x3a: {  	_ = 	snop  }
0x3b: {  	_ = 	snop  }
0x3c: {  	p2 =	seq.s32 s10, $0x1;
	s10 =	sld [smem:$0x3FBA]  }
0x3d: {  	_ =	shalt  }
0x3e: {  	_ =	shalt  }
0x3f: {  	_ =	shalt  }
0x40: {  	_ =	shalt  }
0x41: {  	_ =	shalt  }
0x42: {  	_ =	shalt  }
0x43: {  	_ =	shalt  }
0x44: {  	_ =	shalt  }
0x45: {  	_ =	shalt  }
0x46: {  	_ =	shalt  }
0x47: {  	_ =	shalt  }
0x48: {  	_ =	shalt  }
0x49: {  	_ =	shalt  }
0x4a: {  	_ =	shalt  }
0x4b: {  	_ =	shalt  }
0x4c: {  	_ =	shalt  }
0x4d: {  	_ =	shalt  }
0x4e: {  	_ =	shalt  }
0x4f: {  	_ =	shalt  }
0x50: {  	_ =	shalt  }
0x51: {  	_ =	shalt  }
0x52: {  	_ =	shalt  }
0x53: {  	_ =	shalt  }
0x54: {  	_ =	shalt  }
0x55: {  	_ =	shalt  }
0x56: {  	_ =	shalt  }
0x57: {  	_ =	shalt  }
0x58: {  	_ =	shalt  }
0x59: {  	_ =	shalt  }
0x5a: {  	_ =	shalt  }
0x5b: {  	_ =	shalt  }
0x5c: {  	_ =	shalt  }
0x5d: {  	_ =	shalt  }
0x5e: {  	_ =	shalt  }
0x5f: {  	_ =	shalt  }
0x60: {  	_ =	shalt  }
0x61: {  	_ =	shalt  }
0x62: {  	_ =	shalt  }
0x63: {  	_ =	shalt  }
0x64: {  	_ =	shalt  }
0x65: {  	_ =	shalt  }
0x66: {  	_ =	shalt  }
0x67: {  	_ =	shalt  }
0x68: {  	_ =	shalt  }
0x69: {  	_ =	shalt  }
0x6a: {  	_ =	shalt  }
0x6b: {  	_ =	shalt  }
0x6c: {  	_ =	shalt  }
0x6d: {  	_ =	shalt  }
0x6e: {  	_ =	shalt  }
0x6f: {  	_ =	shalt  }
0x70: {  	_ =	shalt  }
0x71: {  	_ =	shalt  }
0x72: {  	_ =	shalt  }
0x73: {  	_ =	shalt  }
0x74: {  	_ =	shalt  }
0x75: {  	_ =	shalt  }
0x76: {  	_ =	shalt  }
0x77: {  	_ =	shalt  }
0x78: {  	_ =	shalt  }
0x79: {  	_ =	shalt  }
0x7a: {  	_ =	shalt  }
0x7b: {  	_ =	shalt  }
0x7c: {  	_ =	shalt  }
0x7d: {  	_ =	shalt  }
0x7e: {  	_ =	shalt  }
0x7f: {  	_ =	shalt  }
0x80: {  	_ =	shalt  }
0x81: {  	_ =	shalt  }
0x82: {  	_ =	shalt  }
0x83: {  	_ =	shalt  }
0x84: {  	_ =	shalt  }
0x85: {  	_ =	shalt  }
0x86: {  	_ =	shalt  }
0x87: {  	_ =	shalt  }
.Lfunc_end0:
.L_simem_size_0:
called_computation_lowered:
.L_overlay_start_0:
0x88: {  	s2 =	sld [smem:$0x3FD9]  }
0x89: {  	s3 =	sld [smem:$0x3FFE];
	_ =	sdelay $0x1  }
0x8a: {  	s1 =	srdreg.scid  }
0x8b: {  	s0 =	sand.u32 $0x1, s1  }
0x8c: {  	s17 =	sshll.u32 s0, $0xA;
	s2 =	sadd.s32 s3, s2  }
0x8d: {  	s2 =	sadd.s32 s2, s17  }
0x8e: {  	[smem:$0x3FC6] =	sst s2  }
0x8f: {  	_ = 	snop  }
0x90: {  	s2 =	sld [smem:$0x3FD0];
	(tm) =	ssettm $0x1  }
0x91: {  	s18 =	sld [smem:$0x3FFB];
	_ =	sdelay $0x3  }
0x92: {  	_ =	strace s18  }
0x93: {  	s3 =	sld [smem:$0x3FFC];
	_ =	sdelay $0x3  }
0x94: {  	_ =	strace s3  }
0x95: {  	s3 =	sld [smem:$0x3FFD];
	_ =	sdelay $0x3  }
0x96: {  	_ =	strace s3  }
0x97: {  	_ =	strace $0x8FFFFFFF  }
0x98: {  	s19 =	sld [smem:$0x3FDB];
	_ =	sdelay $0x1  }
0x99: {  	s4 =	simm.s32 $_scs_section_size  }
0x9a: {  	s5 =	simm.s32 $_size__tile_overlayer_lowered;
	s6 =	simm.s32 $_tile_overlayer_lowered  }
0x9b: {  	s22 =	simm.s32 $0x1BFF;
	s21 =	sshll.u32 s6, $0x1;
	s3 =	sadd.s32 s4, s19  }
0x9c: {  	s7 =	simm.s32 $0x0;
	s20 =	sshll.u32 s5, $0x1;
	s5 =	sadd.s32 s21, s3  }
0x9d: {  	[timem:s7], [sflag:s22] =	dma.local [hbm:s5], s20  }
0x9e: {  	_ =	swait.ge [sflag:s22], s20  }
0x9f: {  	s4 =	ssub.s32 $0x0, s20;
	[sflag:s22] =	ssyncset.done $0x0  }
0xa0: {  	[sflag:s22] =	ssyncadd.s32 s4;
	_ =	sdelay $0x1  }
0xa1: {  	s23 =	simm.s32 $0x1B8B  }
0xa2: {  	_ =	swait.ge [sflag:s23], $0x1  }
0xa3: {  	[sflag:s23] =	ssyncset.done $0x0  }
0xa4: {  	s25 =	simm.s32 $0x1B8E;
	s24 =	sld [smem:$0x3FFE];
	[sflag:s23] =	ssyncadd.s32 $0xFFFFFFFF  }
0xa5: {  	s26 =	simm.s32 $execute0_lowered;
	[smem:$0x3FD2] =	sst s25  }
0xa6: {  	s5 =	sshll.u32 s26, $0x1;
	_ =	strace $0x80000046;
	[dreg:$0x1] =	wrdreg $0xFFFFFFFF  }
0xa7: {  	s28 =	simm.s32 $_size_execute0_lowered;
	s3 =	sadd.s32 s3, s5;
	[dreg:$0x0] =	wrdreg $0x0  }
0xa8: {  	s5 =	sshll.u32 s28, $0x1;
	[dreg:$0x2] =	wrdreg s3  }
0xa9: {  	[dreg:$0x3] =	wrdreg s5  }
0xaa: {  	[dreg:$0x4] =	wrdreg $0xC0  }
0xab: {  	_ =	task [dreg:s7], $0x5FFFF  }
0xac: {  	[dreg:$0x1] =	wrdreg $0xFFFFFFFF  }
0xad: {  	[dreg:$0x0] =	wrdreg $0x60  }
0xae: {  	[dreg:$0x2] =	wrdreg s2  }
0xaf: {  	[dreg:$0x3] =	wrdreg s24  }
0xb0: {  	[dreg:$0x4] =	wrdreg $0x9  }
0xb1: {  	_ =	task.clear_ibuf [dreg:s7], $0x5FFFF;
	_ =	strace $0x90000046  }
0xb2: {  	s29 =	simm.s32 $0x9;
	_ =	strace $0x80000048  }
0xb3: {  	_ =	swait.ge [sflag:s29], $0x1  }
0xb4: {  	[sflag:s29] =	ssyncadd.s32 $0xFFFFFFFF  }
0xb5: {  	_ =	strace $0x90000048  }
0xb6: {  	_ =	sfence  }
0xb7: {  	s30 =	sld [smem:$0x0];
	_ =	sdelay $0x2  }
0xb8: {  	s31 =	sshll.u32 s1, $0xD;
	s1 =	sshrl.u32 s1, $0x2  }
0xb9: {  	s3 =	sand.u32 $0x4000, s31;
	s1 =	sadd.s32 s1, s30  }
0xba: {  	s0 =	sor.u32 s3, s0;
	s1 =	sshll.u32 s1, $0x11  }
0xbb: {  	s0 =	sor.u32 s1, s0  }
0xbc: {  	s0 =	sadd.s32 $0x8F2B, s0  }
0xbd: {  	[sflag:s0] =	ssyncadd.remote.s32 $0x1  }
0xbe: {  	_ =	sfence.sel $0xFFFF  }
0xbf: {  	[dreg:$0x0] =	wrdreg $0xFFFFFFFF;
	(pc) =	sbr.abs _section_cstart, $3  }
0xc0: {  	[dreg:$0x1] =	wrdreg $0xFFFFFFFF  }
0xc1: {  	_ =	task.clear_ibuf [dreg:s7], $0x2FFFF;
	_ =	strace $0x9FFFFFFF  }
0xc2: {  	(tm) =	ssettm $0x7FFFFFFF  }
0xc3: {  	_ =	shalt  }
tec
execute0_lowered:
.L_overlay_start_1:
0x0: {  	(tag) =	ssettag $0x1  }
0x1: {  	s2 =	rddreg [dreg:$0x0]  }
0x2: {  	s5 =	rddreg [dreg:$0x1]  }
0x3: {  	s0 =	rddreg [dreg:$0x2];
	s4 =	srdreg.scid  }
0x4: {  	s1 =	stileid.u32;
	s3 =	simm.s32 $0x0;
	s10 =	simm.s32 $0x1  }
0x5: {  	s11 =	simm.s32 $0x2;
	s12 =	simm.s32 $0xC500;
	s13 =	simm.s32 $0x80  }
0x6: {  	s14 =	simm.s32 $0x400;
	s15 =	simm.s32 $0x3;
	s16 =	simm.s32 $0x0  }
0x7: {  	s4 =	sand.u32 $0x1, s4;
	s6 =	sshll.u32 s1, $0x1;
	[smem:$0x7FF] =	sst s3  }
0x8: {  	s6 =	sor.u32 s4, s6;
	_ =	strace $0x80000047;
	s7 =	ssub.s32 $0x2, s4  }
0x9: {  	s4 =	sadd.s32 $0x126000, s5;
	s8 =	smul.u32 $0x9300, s6;
	s9 =	sshrl.u32 s7, $0x1  }
0xa: {  	s5 =	sadd.s32 $0x24C000, s5;
	s6 =	smul.u32 $0x18, s6;
	s9 =	ssub.s32 s7, s9  }
0xb: {  	v0 =	vimm.f32 $0.0e+00;
	v1 =	vimm.s32 $0xFFFFFFFF;
	s7 =	sadd.s32 s2, s8;
	s8 =	sadd.s32 s4, s8;
	s9 =	smax.u32 s9, $0x1  }
.LBB2_1:
0xc: {  	s17 =	simm.s32 $0xC540  }
0xd: {  	[tilespmem:s17+$0xFFFFFFC0] =	vst v0  }
0xe: {  	[tilespmem:s17+$0x30] =	vst v0  }
0xf: {  	[tilespmem:s17+$0x20] =	vst v0  }
0x10: {  	[tilespmem:s17+$0x10] =	vst v0  }
0x11: {  	[tilespmem:s17+$0x0] =	vst v0  }
0x12: {  	[tilespmem:s17+$0xFFFFFFF0] =	vst v0  }
0x13: {  	s18 =	simm.s32 $0x0;
	[tilespmem:s17+$0xFFFFFFE0] =	vst v0  }
.LBB2_2:
0x14: {  	s18 =	sadd.s32 $0x8, s18;
	[tilespmem:s17+$0xFFFFFFD0] =	vst v0;
	s17 =	sadd.s32 $0x80, s17  }
0x15: {  	[tilespmem:s17+$0xFFFFFFC0] =	vst v0;
	p0 =	slt.u32 s18, $0xC38  }
0x16: {  	[tilespmem:s17+$0x30] =	vst v0  }
.Ltmp0:
0x17: {  	[tilespmem:s17+$0x20] =	vst v0;
	(pc) =	sbr.rel @p0 .LBB2_2-.Ltmp0, $4  }
0x18: {  	[tilespmem:s17+$0x10] =	vst v0  }
0x19: {  	[tilespmem:s17+$0x0] =	vst v0  }
0x1a: {  	[tilespmem:s17+$0xFFFFFFF0] =	vst v0  }
0x1b: {  	[tilespmem:s17+$0xFFFFFFE0] =	vst v0  }
0x1c: {  	[tilespmem:s17+$0xFFFFFFD0] =	vst v0  }
0x1d: {  	s17 =	simm.s32 $0x0;
	[tilespmem:$0x6200] =	vst v1  }
0x1e: {  	s18 =	simm.s32 $0x10;
	s20 =	sadd.s32 $0x0, s7;
	s19 =	simm.s32 $0x100;
	[tilespmem:$0x6280] =	vst v1  }
.LBB2_4:
0x1f: {  	[tilespmem:s17], [sflag:$0x1] =	stream.linear.gather [hbm4b:s20+s3], $0x80, $0x38;
	[tilespmem:$0x18900] =	vst v63  }
0x20: {  	s20 =	smov.u32 s18;
	s17 =	smov.u32 s19;
	p0 =	sne.s32 s18, $0x610  }
.Ltmp1:
0x21: {  	s18 =	sadd.s32 $0x10, s18;
	(pc) =	sbr.rel @p0 .LBB2_4-.Ltmp1, $2  }
0x22: {  	_ =	sdelay $0x2  }
0x23: {  	s19 =	sadd.s32 $0x100, s19;
	s20 =	sadd.s32 s20, s7  }
0x24: {  	[tilespmem:s17], [sflag:$0x1] =	stream.linear.gather [hbm4b:s20+s3], $0x80, $0x38;
	[tilespmem:$0x18900] =	vst v63  }
0x25: {  	s17 =	simm.s32 $0x0;
	s18 =	simm.s32 $0x6300  }
0x26: {  	s19 =	simm.s32 $0x10;
	s21 =	sadd.s32 $0x0, s8;
	s20 =	simm.s32 $0x6400  }
.LBB2_6:
0x27: {  	[tilespmem:s18], [sflag:$0x2] =	stream.linear.gather [hbm4b:s21+s17], $0x80, $0x38;
	[tilespmem:$0x18900] =	vst v63  }
0x28: {  	s21 =	smov.u32 s19;
	s18 =	smov.u32 s20;
	p0 =	seq.s32 s19, $0x610  }
.Ltmp2:
0x29: {  	s19 =	sadd.s32 $0x10, s19;
	(pc) =	sbr.rel @!p0 .LBB2_6-.Ltmp2, $2  }
0x2a: {  	_ =	sdelay $0x2  }
0x2b: {  	s20 =	sadd.s32 $0x100, s20;
	s21 =	sadd.s32 s21, s8  }
0x2c: {  	[tilespmem:s18], [sflag:$0x2] =	stream.linear.gather [hbm4b:s21+s17], $0x80, $0x38;
	[tilespmem:$0x18900] =	vst v63  }
.LBB2_9:
0x2d: {  	_ =	swait.ge [sflag:s10], $0x3100;
	p0 =	seq.s32 s17, $0x17  }
.Ltmp3:
0x2e: {  	[sflag:s10] =	ssyncset.done $0x0;
	(pc) =	sbr.rel @!p0 .LBB2_11-.Ltmp3, $4  }
0x2f: {  	[sflag:s10] =	ssyncadd.s32 $0xFFFFCF00  }
0x30: {  	_ =	swait.ge [sflag:s11], $0x3100  }
0x31: {  	[sflag:s11] =	ssyncset.done $0x0  }
0x32: {  	s18 =	sadd.s32 s6, s17;
	[sflag:s11] =	ssyncadd.s32 $0xFFFFCF00  }
.Ltmp4:
0x33: {  	(pc) =	sbr.rel .LBB2_16-.Ltmp4, $2  }
0x34: {  	_ =	sdelay $0x2  }
0x35: {  	s20 =	simm.s32 $0x380;
	s21 =	simm.s32 $0x80  }
.LBB2_11:
0x36: {  	s20 =	smul.u32 $0x3100, s18;
	_ =	sdelay $0x1  }
0x37: {  	s19 =	sshll.u32 s17, $0x7;
	s20 =	sshrl.u32 s20, $0x3  }
0x38: {  	s21 =	sand.u32 $0x80, s19;
	s20 =	sadd.s32 $0x620, s20  }
0x39: {  	s24 =	simm.s32 $0x10;
	s22 =	sxor.u32 $0x80, s21;
	s23 =	sadd.s32 s2, s20  }
0x3a: {  	s25 =	sadd.s32 $0x100, s22;
	s26 =	smov.u32 s22;
	s28 =	sadd.s32 $0x0, s23  }
.LBB2_12:
0x3b: {  	[tilespmem:s26], [sflag:$0x1] =	stream.linear.gather [hbm4b:s28+s3], $0x80, $0x38;
	[tilespmem:$0x18900] =	vst v63  }
0x3c: {  	s28 =	smov.u32 s24;
	s26 =	smov.u32 s25;
	p0 =	sne.s32 s24, $0x610  }
.Ltmp5:
0x3d: {  	s24 =	sadd.s32 $0x10, s24;
	(pc) =	sbr.rel @p0 .LBB2_12-.Ltmp5, $2  }
0x3e: {  	_ =	sdelay $0x2  }
0x3f: {  	s25 =	sadd.s32 $0x100, s25;
	s28 =	sadd.s32 s28, s23  }
0x40: {  	[tilespmem:s26], [sflag:$0x1] =	stream.linear.gather [hbm4b:s28+s3], $0x80, $0x38;
	[tilespmem:$0x18900] =	vst v63  }
0x41: {  	s22 =	sor.u32 $0x6300, s22;
	s20 =	sadd.s32 s4, s20  }
0x42: {  	s23 =	simm.s32 $0x10;
	s25 =	sadd.s32 $0x0, s20;
	s24 =	sadd.s32 $0x100, s22  }
.LBB2_14:
0x43: {  	[tilespmem:s22], [sflag:$0x2] =	stream.linear.gather [hbm4b:s25+s3], $0x80, $0x38;
	[tilespmem:$0x18900] =	vst v63  }
0x44: {  	s25 =	smov.u32 s23;
	s22 =	smov.u32 s24;
	p0 =	sne.s32 s23, $0x610  }
.Ltmp6:
0x45: {  	s23 =	sadd.s32 $0x10, s23;
	(pc) =	sbr.rel @p0 .LBB2_14-.Ltmp6, $2  }
0x46: {  	_ =	sdelay $0x2  }
0x47: {  	s24 =	sadd.s32 $0x100, s24;
	s25 =	sadd.s32 s25, s20  }
0x48: {  	[tilespmem:s22], [sflag:$0x2] =	stream.linear.gather [hbm4b:s25+s3], $0x80, $0x38;
	[tilespmem:$0x18900] =	vst v63  }
0x49: {  	s20 =	sand.u32 $0x380, s19  }
.LBB2_16:
0x4a: {  	s19 =	sadd.s32 $0x40, s21  }
0x4b: {  	v3 =	vld [tilespmem:s19+$0x30]  }
0x4c: {  	v4 =	vld [tilespmem:s19+$0x31]  }
0x4d: {  	v5 =	vld [tilespmem:s19+$0xFFFFFFD0]  }
0x4e: {  	v10 =	vld [tilespmem:s19+$0xFFFFFFE0]  }
0x4f: {  	v11 =	vld [tilespmem:s19+$0xFFFFFFF0]  }
0x50: {  	v12 =	vld [tilespmem:s19+$0x0]  }
0x51: {  	v13 =	vld [tilespmem:s19+$0x10]  }
0x52: {  	s22 =	smul.u32 $0xC400, s18;
	v8 =	vld [tilespmem:s19+$0xFFFFFFC0]  }
0x53: {  	v16 =	vld [tilespmem:s19+$0xFFFFFFD1]  }
0x54: {  	v18 =	vld [tilespmem:s19+$0xFFFFFFE1];
	v2 =	vmov s22  }
0x55: {  	v23 =	vld [tilespmem:s19+$0x1];
	v7 =	vsub.s32 v3, v2;
	vm0 =	vne.s32 v3, v4;
	v3 =	vand.u32 $0x7F, v3  }
0x56: {  	s21 =	sadd.s32 $0x6340, s21;
	v9 =	vsub.s32 v5, v2;
	v15 =	vand.u32 $0x7F, v5;
	v4 =	vand.u32 $0xFFFFFF80, v7;
	v7 =	vld [tilespmem:s19+$0xFFFFFFC1]  }
0x57: {  	v6 =	vld [tilespmem:s21+$0x30];
	v19 =	vsub.s32 v11, v2;
	v21 =	vand.u32 $0x7F, v11;
	v22 =	vsub.s32 v12, v2  }
0x58: {  	v14 =	vld [tilespmem:s19+$0x20];
	v24 =	vand.u32 $0x7F, v12;
	v25 =	vsub.s32 v8, v2;
	vm5 =	vne.s32 v5, v16  }
0x59: {  	v20 =	vld [tilespmem:s19+$0xFFFFFFF1];
	v5 =	vand.u32 $0x7F, v13;
	vm2 =	vne.s32 v10, v18;
	v17 =	vor.u32 v3, v4  }
0x5a: {  	v26 =	vld [tilespmem:s19+$0x11];
	vm1 =	vne.s32 v12, v23;
	v3 =	vand.u32 $0xFFFFFF80, v9;
	v4 =	vsub.s32 v10, v2  }
0x5b: {  	v60 =	vld [tilespmem:s19+$0x21];
	vm3 =	vne.s32 v8, v7;
	v7 =	vand.u32 $0x7F, v8;
	v8 =	vand.u32 $0xFFFFFF80, v25  }
0x5c: {  	v61 =	vld [tilespmem:s21+$0xFFFFFFC0];
	v9 =	vand.u32 $0x7F, v10;
	v4 =	vand.u32 $0xFFFFFF80, v4;
	v27 =	vor.u32 v7, v8  }
0x5d: {  	v28 =	vld [tilespmem:s21+$0xFFFFFFD0];
	v19 =	vand.u32 $0xFFFFFF80, v19;
	v15 =	vor.u32 v15, v3;
	v3 =	vor.u32 v9, v4  }
0x5e: {  	v22 =	vand.u32 $0xFFFFFF80, v22;
	v9 =	vsub.s32 v14, v2;
	v8 =	vld [tilespmem:s21+$0xFFFFFFE0];
	[tilespmem:v17+s12+$0x0] =	vst.idx.msk vm0, v6;
	vm0 =	vne.s32 v11, v20  }
0x5f: {  	v4 =	vor.u32 v21, v19;
	v63 =	vand.u32 $0xFFFFFF80, v9;
	v9 =	vld [tilespmem:s21+$0xFFFFFFF0];
	v7 =	vsub.s32 v13, v2  }
0x60: {  	vm4 =	vne.s32 v13, v26;
	v10 =	vld [tilespmem:s21+$0x0];
	v6 =	vor.u32 v24, v22;
	v7 =	vand.u32 $0xFFFFFF80, v7  }
0x61: {  	v62 =	vand.u32 $0x7F, v14;
	v11 =	vld [tilespmem:s21+$0x10];
	v5 =	vor.u32 v5, v7;
	[tilespmem:v27+s12+$0x0] =	vst.idx.msk vm3, v61;
	vm3 =	vne.s32 v14, v60  }
0x62: {  	s17 =	sadd.s32 $0x1, s17;
	s23 =	sadd.s32 $0x100, s19;
	s22 =	simm.s32 $0x0;
	v12 =	vld [tilespmem:s21+$0x20];
	[tilespmem:v15+s12+$0x0] =	vst.idx.msk vm5, v28;
	v7 =	vor.u32 v62, v63  }
.LBB2_17:
0x63: {  	v13 =	vld [tilespmem:s23+$0x30];
	s22 =	sadd.s32 $0x8, s22;
	[tilespmem:v3+s12+$0x0] =	vst.idx.msk vm2, v8  }
0x64: {  	v3 =	vld [tilespmem:s23+$0x31];
	p0 =	slt.u32 s22, $0x308;
	[tilespmem:v4+s12+$0x0] =	vst.idx.msk vm0, v9  }
0x65: {  	v8 =	vld [tilespmem:s23+$0xFFFFFFD0];
	[tilespmem:v6+s12+$0x0] =	vst.idx.msk vm1, v10  }
0x66: {  	v9 =	vld [tilespmem:s23+$0xFFFFFFE0];
	[tilespmem:v5+s12+$0x0] =	vst.idx.msk vm4, v11  }
0x67: {  	v10 =	vld [tilespmem:s23+$0xFFFFFFF0];
	[tilespmem:v7+s12+$0x0] =	vst.idx.msk vm3, v12  }
0x68: {  	v11 =	vld [tilespmem:s23+$0x0];
	v4 =	vsub.s32 v13, v2  }
0x69: {  	s21 =	sadd.s32 $0x100, s21;
	v12 =	vld [tilespmem:s23+$0x10];
	vm0 =	vne.s32 v13, v3;
	v3 =	vand.u32 $0xFFFFFF80, v4;
	v4 =	vand.u32 $0x7F, v13  }
0x6a: {  	v5 =	vsub.s32 v8, v2;
	v6 =	vand.u32 $0x7F, v8;
	v7 =	vld [tilespmem:s21+$0x30];
	v4 =	vor.u32 v4, v3  }
0x6b: {  	v3 =	vand.u32 $0xFFFFFF80, v5;
	v5 =	vsub.s32 v9, v2;
	v13 =	vand.u32 $0x7F, v9;
	v14 =	vld [tilespmem:s23+$0x20]  }
0x6c: {  	v15 =	vld [tilespmem:s23+$0xFFFFFFC0];
	v5 =	vand.u32 $0xFFFFFF80, v5;
	v16 =	vsub.s32 v10, v2;
	v17 =	vand.u32 $0x7F, v10  }
0x6d: {  	v18 =	vld [tilespmem:s23+$0xFFFFFFC1];
	v16 =	vand.u32 $0xFFFFFF80, v16;
	v19 =	vsub.s32 v11, v2;
	v20 =	vand.u32 $0x7F, v11  }
0x6e: {  	v21 =	vld [tilespmem:s23+$0xFFFFFFD1];
	v19 =	vand.u32 $0xFFFFFF80, v19;
	v22 =	vsub.s32 v12, v2;
	v23 =	vand.u32 $0x7F, v12  }
0x6f: {  	v24 =	vor.u32 v6, v3;
	v3 =	vor.u32 v13, v5;
	v25 =	vld [tilespmem:s23+$0xFFFFFFE1];
	v5 =	vand.u32 $0xFFFFFF80, v22;
	[tilespmem:v4+s12+$0x0] =	vst.idx.msk vm0, v7  }
0x70: {  	v4 =	vor.u32 v17, v16;
	v13 =	vld [tilespmem:s23+$0xFFFFFFF1];
	v6 =	vsub.s32 v14, v2;
	v7 =	vand.u32 $0x7F, v14  }
0x71: {  	v16 =	vsub.s32 v15, v2;
	v17 =	vand.u32 $0x7F, v15;
	v22 =	vld [tilespmem:s23+$0x1];
	v26 =	vand.u32 $0xFFFFFF80, v6  }
0x72: {  	v5 =	vor.u32 v23, v5;
	v6 =	vor.u32 v20, v19;
	v16 =	vand.u32 $0xFFFFFF80, v16;
	v19 =	vld [tilespmem:s23+$0x11]  }
0x73: {  	vm5 =	vne.s32 v15, v18;
	v7 =	vor.u32 v7, v26;
	v15 =	vor.u32 v17, v16;
	v16 =	vld [tilespmem:s23+$0x21]  }
0x74: {  	vm6 =	vne.s32 v8, v21;
	v17 =	vld [tilespmem:s21+$0xFFFFFFC0];
	vm2 =	vne.s32 v9, v25  }
0x75: {  	v18 =	vld [tilespmem:s21+$0xFFFFFFD0];
	vm0 =	vne.s32 v10, v13  }
.Ltmp7:
0x76: {  	v8 =	vld [tilespmem:s21+$0xFFFFFFE0];
	vm1 =	vne.s32 v11, v22;
	(pc) =	sbr.rel @p0 .LBB2_17-.Ltmp7, $4  }
0x77: {  	v9 =	vld [tilespmem:s21+$0xFFFFFFF0];
	vm4 =	vne.s32 v12, v19  }
0x78: {  	v10 =	vld [tilespmem:s21+$0x0];
	vm3 =	vne.s32 v14, v16  }
0x79: {  	[tilespmem:v15+s12+$0x0] =	vst.idx.msk vm5, v17;
	v11 =	vld [tilespmem:s21+$0x10]  }
0x7a: {  	s23 =	sadd.s32 $0x100, s23;
	[tilespmem:v24+s12+$0x0] =	vst.idx.msk vm6, v18;
	v12 =	vld [tilespmem:s21+$0x20]  }
0x7b: {  	_ =	sdelay $0x3  }
0x7c: {  	s18 =	sshrl.u32 s18, $0x3  }
0x7d: {  	[tilespmem:v3+s12+$0x0] =	vst.idx.msk vm2, v8;
	s18 =	smul.u32 $0x62000, s18  }
0x7e: {  	[tilespmem:v4+s12+$0x0] =	vst.idx.msk vm0, v9  }
0x7f: {  	[tilespmem:v6+s12+$0x0] =	vst.idx.msk vm1, v10;
	s18 =	sor.u32 s20, s18  }
0x80: {  	[tilespmem:v5+s12+$0x0] =	vst.idx.msk vm4, v11;
	s18 =	sshrl.u32 s18, $0x3  }
0x81: {  	[tilespmem:v7+s12+$0x0] =	vst.idx.msk vm3, v12;
	s18 =	sadd.s32 s5, s18  }
0x82: {  	[hbm4b:s18+s13] =	stream.strided.scatter [tilespmem:s12], [sflag:$0x3], $0xC400, s14, s13, $0x38;
	[tilespmem:$0x18900] =	vst v63  }
0x83: {  	_ =	swait.ge [sflag:s15], $0xC400  }
0x84: {  	[sflag:s15] =	ssyncset.done $0x0  }
0x85: {  	[sflag:s15] =	ssyncadd.s32 $0xFFFF3C00  }
0x86: {  	v3 =	vld [tilespmem:s19+$0x30]  }
0x87: {  	v4 =	vld [tilespmem:s19+$0xFFFFFFD0]  }
0x88: {  	v5 =	vld [tilespmem:s19+$0xFFFFFFE0]  }
0x89: {  	v7 =	vld [tilespmem:s19+$0x0]  }
0x8a: {  	v8 =	vld [tilespmem:s19+$0x10]  }
0x8b: {  	v11 =	vld [tilespmem:s19+$0x20]  }
0x8c: {  	v12 =	vld [tilespmem:s19+$0xFFFFFFC0];
	_ =	sdelay $0x1  }
0x8d: {  	v9 =	vsub.s32 v3, v2  }
0x8e: {  	v10 =	vsub.s32 v4, v2;
	v3 =	vand.u32 $0x7F, v3;
	v13 =	vsub.s32 v5, v2  }
0x8f: {  	v5 =	vand.u32 $0x7F, v5;
	v14 =	vsub.s32 v7, v2;
	v15 =	vsub.s32 v8, v2  }
0x90: {  	s31 =	sadd.s32 $0x100, s19;
	v6 =	vld [tilespmem:s19+$0xFFFFFFF0];
	v17 =	vand.u32 $0x7F, v7;
	v7 =	vsub.s32 v11, v2;
	v19 =	vsub.s32 v12, v2  }
0x91: {  	v16 =	vld [tilespmem:s31+$0x30];
	v12 =	vand.u32 $0x7F, v12;
	v11 =	vand.u32 $0x7F, v11;
	v9 =	vand.u32 $0xFFFFFF80, v9  }
0x92: {  	v18 =	vld [tilespmem:s31+$0xFFFFFFD0];
	v10 =	vand.u32 $0xFFFFFF80, v10;
	v13 =	vand.u32 $0xFFFFFF80, v13;
	v14 =	vand.u32 $0xFFFFFF80, v14  }
0x93: {  	v21 =	vld [tilespmem:s31+$0xFFFFFFE0];
	v15 =	vand.u32 $0xFFFFFF80, v15;
	v20 =	vand.u32 $0xFFFFFF80, v7;
	v9 =	vor.u32 v3, v9  }
0x94: {  	v7 =	vand.u32 $0xFFFFFF80, v19;
	v19 =	vand.u32 $0x7F, v8;
	v3 =	vand.u32 $0x7F, v4  }
0x95: {  	v4 =	vsub.s32 v6, v2;
	v6 =	vand.u32 $0x7F, v6;
	v22 =	vor.u32 v12, v7  }
0x96: {  	v23 =	vld [tilespmem:s31+$0xFFFFFFF0];
	v25 =	vor.u32 v5, v13;
	v4 =	vand.u32 $0xFFFFFF80, v4;
	v24 =	vor.u32 v3, v10  }
0x97: {  	v7 =	vld [tilespmem:s31+$0x0];
	v10 =	vsub.s32 v16, v2;
	v3 =	vor.u32 v11, v20;
	v11 =	vsub.s32 v18, v2  }
0x98: {  	v5 =	vld [tilespmem:s31+$0x10];
	v13 =	vand.u32 $0x7F, v16;
	v8 =	vor.u32 v6, v4;
	[tilespmem:v9+s12+$0x0] =	vst.idx.msk $0xffff, v0;
	v9 =	vsub.s32 v21, v2  }
0x99: {  	v12 =	vand.u32 $0xFFFFFF80, v10;
	v10 =	vand.u32 $0xFFFFFF80, v11;
	v11 =	vand.u32 $0xFFFFFF80, v9;
	v9 =	vld [tilespmem:s31+$0x20]  }
0x9a: {  	v4 =	vor.u32 v19, v15;
	v15 =	vor.u32 v13, v12;
	v12 =	vand.u32 $0x7F, v18;
	v18 =	vld [tilespmem:s31+$0xFFFFFFC0]  }
0x9b: {  	v6 =	vor.u32 v17, v14;
	v14 =	vand.u32 $0x7F, v21;
	[tilespmem:v22+s12+$0x0] =	vst.idx.msk $0xffff, v0  }
0x9c: {  	v17 =	vand.u32 $0x7F, v23;
	v13 =	vsub.s32 v23, v2;
	v16 =	vsub.s32 v7, v2;
	[tilespmem:v25+s12+$0x0] =	vst.idx.msk $0xffff, v0  }
0x9d: {  	s18 =	simm.s32 $0x8;
	s19 =	sadd.s32 $0x100, s31;
	v13 =	vand.u32 $0xFFFFFF80, v13;
	v19 =	vsub.s32 v5, v2;
	[tilespmem:v24+s12+$0x0] =	vst.idx.msk $0xffff, v0;
	v16 =	vand.u32 $0xFFFFFF80, v16  }
.LBB2_19:
0x9e: {  	v20 =	vld [tilespmem:s19+$0x30];
	s18 =	sadd.s32 $0x8, s18;
	v21 =	vand.u32 $0x7F, v7;
	v19 =	vand.u32 $0xFFFFFF80, v19;
	v7 =	vsub.s32 v9, v2;
	[tilespmem:v8+s12+$0x0] =	vst.idx.msk $0xffff, v0  }
0x9f: {  	v22 =	vld [tilespmem:s19+$0xFFFFFFD0];
	p0 =	slt.u32 s18, $0x308;
	v8 =	vsub.s32 v18, v2;
	v18 =	vand.u32 $0x7F, v18;
	v23 =	vand.u32 $0xFFFFFF80, v7;
	[tilespmem:v15+s12+$0x0] =	vst.idx.msk $0xffff, v0  }
0xa0: {  	v5 =	vand.u32 $0x7F, v5;
	v9 =	vand.u32 $0x7F, v9;
	v24 =	vld [tilespmem:s19+$0xFFFFFFE0];
	v7 =	vand.u32 $0xFFFFFF80, v8;
	[tilespmem:v6+s12+$0x0] =	vst.idx.msk $0xffff, v0  }
0xa1: {  	v27 =	vor.u32 v12, v10;
	v28 =	vor.u32 v14, v11;
	v25 =	vld [tilespmem:s19+$0xFFFFFFF0];
	v26 =	vor.u32 v18, v7  }
0xa2: {  	v10 =	vor.u32 v5, v19;
	v8 =	vor.u32 v17, v13;
	v6 =	vor.u32 v21, v16;
	v7 =	vld [tilespmem:s19+$0x0]  }
0xa3: {  	v12 =	vor.u32 v9, v23;
	v5 =	vld [tilespmem:s19+$0x10];
	v11 =	vsub.s32 v20, v2;
	[tilespmem:v4+s12+$0x0] =	vst.idx.msk $0xffff, v0;
	v4 =	vmov v10  }
.Ltmp8:
0xa4: {  	v13 =	vand.u32 $0x7F, v20;
	v10 =	vsub.s32 v22, v2;
	v9 =	vld [tilespmem:s19+$0x20];
	v11 =	vand.u32 $0xFFFFFF80, v11;
	[tilespmem:v3+s12+$0x0] =	vst.idx.msk $0xffff, v0;
	v3 =	vmovc v12;
	(pc) =	sbr.rel @p0 .LBB2_19-.Ltmp8, $4  }
0xa5: {  	v18 =	vld [tilespmem:s19+$0xFFFFFFC0];
	v10 =	vand.u32 $0xFFFFFF80, v10;
	v14 =	vsub.s32 v24, v2;
	v15 =	vor.u32 v13, v11  }
0xa6: {  	v12 =	vand.u32 $0x7F, v22;
	v11 =	vand.u32 $0xFFFFFF80, v14;
	v13 =	vsub.s32 v25, v2;
	[tilespmem:v26+s12+$0x0] =	vst.idx.msk $0xffff, v0  }
0xa7: {  	v14 =	vand.u32 $0x7F, v24;
	v13 =	vand.u32 $0xFFFFFF80, v13;
	v16 =	vsub.s32 v7, v2;
	[tilespmem:v27+s12+$0x0] =	vst.idx.msk $0xffff, v0  }
0xa8: {  	s19 =	sadd.s32 $0x100, s19;
	v17 =	vand.u32 $0x7F, v25;
	v16 =	vand.u32 $0xFFFFFF80, v16;
	v19 =	vsub.s32 v5, v2;
	[tilespmem:v28+s12+$0x0] =	vst.idx.msk $0xffff, v0  }
0xa9: {  	_ =	sdelay $0x3  }
0xaa: {  	[tilespmem:v8+s12+$0x0] =	vst.idx.msk $0xffff, v0;
	v10 =	vor.u32 v12, v10  }
0xab: {  	[tilespmem:v15+s12+$0x0] =	vst.idx.msk $0xffff, v0;
	v59 =	vor.u32 v14, v11;
	v7 =	vand.u32 $0x7F, v7  }
0xac: {  	[tilespmem:v6+s12+$0x0] =	vst.idx.msk $0xffff, v0;
	v60 =	vand.u32 $0xFFFFFF80, v19;
	v61 =	vor.u32 v17, v13;
	v62 =	vand.u32 $0x7F, v5  }
0xad: {  	[tilespmem:v4+s12+$0x0] =	vst.idx.msk $0xffff, v0;
	v20 =	vsub.s32 v18, v2;
	v57 =	vand.u32 $0x7F, v18;
	v63 =	vor.u32 v7, v16  }
0xae: {  	[tilespmem:v3+s12+$0x0] =	vst.idx.msk $0xffff, v0;
	v2 =	vsub.s32 v9, v2;
	v4 =	vor.u32 v62, v60;
	v20 =	vand.u32 $0xFFFFFF80, v20  }
0xaf: {  	v3 =	vand.u32 $0x7F, v9;
	v2 =	vand.u32 $0xFFFFFF80, v2;
	v58 =	vor.u32 v57, v20;
	[tilespmem:v10+s12+$0x0] =	vst.idx.msk $0xffff, v0  }
0xb0: {  	v2 =	vor.u32 v3, v2;
	[tilespmem:v59+s12+$0x0] =	vst.idx.msk $0xffff, v0  }
0xb1: {  	[tilespmem:v61+s12+$0x0] =	vst.idx.msk $0xffff, v0  }
0xb2: {  	[tilespmem:v63+s12+$0x0] =	vst.idx.msk $0xffff, v0  }
0xb3: {  	[tilespmem:v4+s12+$0x0] =	vst.idx.msk $0xffff, v0  }
0xb4: {  	[tilespmem:v58+s12+$0x0] =	vst.idx.msk $0xffff, v0  }
0xb5: {  	[tilespmem:v2+s12+$0x0] =	vst.idx.msk $0xffff, v0  }
0xb6: {  	p0 =	seq.s32 s17, $0x18  }
.Ltmp9:
0xb7: {  	_ = 	snop;
	(pc) =	sbr.rel @!p0 .LBB2_9-.Ltmp9, $1  }
0xb8: {  	_ =	sdelay $0x3  }
0xb9: {  	s16 =	sadd.s32 $0x1, s16  }
0xba: {  	p0 =	sne.s32 s16, s9  }
.Ltmp10:
0xbb: {  	_ = 	snop;
	(pc) =	sbr.rel @p0 .LBB2_1-.Ltmp10, $1  }
0xbc: {  	_ =	sdelay $0x3  }
0xbd: {  	_ =	sfence.sel $0x180000  }
0xbe: {  	[bflag:$0x0] =	sbarrier.arrive $0xFFFF  }
0xbf: {  	p0 =	sne.s32 s1, $0x0;
	_ =	strace $0x90000047  }
0xc0: {  	s0 =	sadd.s32 @!p0 $0x100000, s0;
	[bflag:$0x2] =	sbarrier.arrive $0xFFFF  }
0xc1: {  	[sflag:s0] =	ssyncadd.tile.s32 @!p0 $0x1;
	_ =	shalt  }
.Lfunc_end2:
_tile_overlayer_lowered:
.L_overlay_start_2:
0xc2: {  	(tag) =	ssettag $0x2  }
0xc3: {  	s0 =	rddreg [dreg:$0x0];
	s2 =	stileid.u32  }
0xc4: {  	s1 =	rddreg [dreg:$0x1];
	p0 =	sne.s32 s2, $0x0  }
0xc5: {  	s3 =	rddreg [dreg:$0x2];
	[bflag:$0x3] =	sbarrier.arrive $0xFFFF;
	s2 =	simm.s32 @!p0 $0x1C03  }
0xc6: {  	[timem:s3], [sflag:s2] =	dma.local @!p0 [hbm:s0], s1  }
0xc7: {  	s0 =	simm.s32 @!p0 $0x3  }
0xc8: {  	_ =	swait.ge @!p0 [sflag:s0], s1  }
0xc9: {  	s1 =	ssub.s32 @!p0 $0x0, s1;
	[sflag:s0] =	ssyncset.done @!p0 $0x0  }
0xca: {  	[sflag:s0] =	ssyncadd.s32 @!p0 s1  }
0xcb: {  	[bflag:$0x3] =	sbarrier.arrive $0xFFFF  }
0xcc: {  	_ =	shalt  }

</sc_bundles>
